<compile_context>
chip_gen: v7x
topology: tpu7x:2x2x1
jax: 0.10.2.dev20260603
libtpu: 0.0.44.dev20260713+nightly
codegen_flags: <defaults>
</compile_context>

<pallas_src>
import jax
import jax.numpy as jnp
from jax import lax
from jax.experimental import pallas as pl
from jax.experimental.pallas import tpu as pltpu
from jax.experimental.pallas import tpu_sc as plsc

BS = 128
BIN_SIZE = 2048
DIM = 256
NBUF = 6
NC = 2
NS = 16
SAMPLES_PER_WORKER = BS // (NC * NS)


def _sc_tail_kernel(idx_hbm, ce_hbm, out_hbm, idx_v, rows_v, sem):
    wid = lax.axis_index("s") * NC + lax.axis_index("c")
    cb = (wid // 4) * 16
    pltpu.sync_copy(idx_hbm.at[pl.ds(cb, 16)], idx_v)
    pltpu.async_copy(ce_hbm.at[idx_v], rows_v, sem).wait()
    base_l = (wid % 4) * 4
    for k in range(SAMPLES_PER_WORKER):
        l = base_l + k
        i = cb + l
        pltpu.sync_copy(
            rows_v.at[pl.ds(l, 1), :],
            out_hbm.at[i, pl.ds(BIN_SIZE, 1), :],
        )


def _sc_tails(idx, ce):
    mesh = plsc.VectorSubcoreMesh(core_axis_name="c", subcore_axis_name="s")
    return pl.kernel(
        _sc_tail_kernel,
        out_type=jax.ShapeDtypeStruct((BS, BIN_SIZE + 1, DIM), jnp.float32),
        mesh=mesh,
        scratch_types=[
            pltpu.VMEM((16,), jnp.int32),
            pltpu.VMEM((16, DIM), jnp.float32),
            pltpu.SemaphoreType.DMA,
        ],
        compiler_params=pltpu.CompilerParams(use_tc_tiling_on_sc=True),
    )(idx, ce)


def _tc_body(idx_ref, ce_ref, tails_ref, out_ref, bufs, sems):
    del tails_ref

    def big_copy(slot, i):
        return pltpu.make_async_copy(
            bufs.at[slot], out_ref.at[i, pl.ds(0, BIN_SIZE), :], sems.at[slot]
        )

    def step(i, carry):
        slot = jax.lax.rem(i, NBUF)

        @pl.when(i >= NBUF)
        def _():
            big_copy(slot, i - NBUF).wait()

        row = idx_ref[i]
        bufs[pl.ds(slot, 1), :, :] = jnp.broadcast_to(
            ce_ref[row, :].reshape(1, 1, DIM), (1, BIN_SIZE, DIM)
        )
        big_copy(slot, i).start()
        return carry

    jax.lax.fori_loop(0, BS, step, 0)

    def drain(j, carry):
        i = BS - NBUF + j
        big_copy(jax.lax.rem(i, NBUF), i).wait()
        return carry

    jax.lax.fori_loop(0, NBUF, drain, 0)


def kernel(tensor, chrom, ce):
    del tensor
    idx = chrom.astype(jnp.int32) - 1
    tails = _sc_tails(idx, ce)
    grid_spec = pltpu.PrefetchScalarGridSpec(
        num_scalar_prefetch=1,
        grid=(1,),
        in_specs=[
            pl.BlockSpec((24, DIM), lambda i, idx_ref: (0, 0)),
            pl.BlockSpec(memory_space=pl.ANY),
        ],
        out_specs=pl.BlockSpec(memory_space=pl.ANY),
        scratch_shapes=[
            pltpu.VMEM((NBUF, BIN_SIZE, DIM), jnp.float32),
            pltpu.SemaphoreType.DMA((NBUF,)),
        ],
    )
    return pl.pallas_call(
        _tc_body,
        grid_spec=grid_spec,
        out_shape=jax.ShapeDtypeStruct((BS, BIN_SIZE + 1, DIM), jnp.float32),
        input_output_aliases={2: 0},
    )(idx, ce, tails)

# --- scband reference (transcript-rebuilt; emitter-appended) ---
"""Pipeline reference for scband-chromosome-embedding-37503654429066 (READ-ONLY COPY).

The authoritative reference and input builder live on the scoring server;
editing this copy changes nothing except your own understanding.
"""

import jax, jax.numpy as jnp
import numpy as np

BS = 128
BIN_SIZE = 2048
DIM = 256

def setup_inputs(seed: int = 0) -> dict:
    key = jax.random.key(seed)
    k1, k2, k3 = jax.random.split(key, 3)
    tensor = jax.random.normal(k1, (BS, BIN_SIZE + 1, DIM), dtype=jnp.float32)
    # chromosome ids are 1..24 in the original code (it indexes ce[chr[i]-1])
    chrom = jax.random.randint(k2, (BS,), 1, 25, dtype=jnp.int64)
    ce = jax.random.normal(k3, (24, DIM), dtype=jnp.float32)
    return {"tensor": tensor, "chrom": chrom, "ce": ce}

def reference(tensor, chrom, ce):
    bs = tensor.shape[0]
    dim = ce.shape[1]
    # ce[chr[i]-1] gathered per sample, then repeated along a new axis of length bin_size+1
    idx = chrom - 1                              # [bs], values 0..23
    emb = jnp.take(ce, idx, axis=0)              # [bs, dim]
    chr_mat_all = jnp.broadcast_to(emb[:, None, :], (bs, BIN_SIZE + 1, dim))
    return chr_mat_all.astype(jnp.float32)

if __name__ == "__main__":
    import jax
    _d = setup_inputs()
    print(jax.jit(kernel)(*tuple(_d.values())))

</pallas_src>

<mosaic_0001>
#map = affine_map<(d0, d1) -> (0)>
#map1 = affine_map<(d0, d1) -> (0, 0)>
#map2 = affine_map<(d0, d1) -> (0, 0, 0)>
module attributes {stable_mosaic.version = 14 : i64} {
  func.func @_sc_tail_kernel(%arg0: i32, %arg1: i32, %arg2: memref<128xi32, #tpu.memory_space<hbm>>, %arg3: memref<24x256xf32, #tpu.memory_space<hbm>>, %arg4: memref<128x2049x256xf32, #tpu.memory_space<hbm>>, %arg5: memref<16xi32, #tpu.memory_space<vmem>>, %arg6: memref<16x256xf32, #tpu.memory_space<vmem>>, %arg7: memref<!tpu.dma_semaphore, #tpu.memory_space<semaphore_mem>>) attributes {dimension_semantics = [#tpu.dimension_semantics<core_parallel>, #tpu.dimension_semantics<subcore_parallel>], iteration_bounds = array<i64: 2, 16>, scalar_prefetch = 0 : i64, scratch_operands = 3 : i64, tpu.core_type = #tpu.core_type<sc_vector_subcore>, window_params = [{transform_indices = #map}, {transform_indices = #map1}, {transform_indices = #map2}]} {
    %mul3A = arith.constant 2 : i32
    %mul3A_0 = arith.muli %arg1, %mul3A : i32
    %add3A = arith.addi %mul3A_0, %arg0 : i32
    %jit3A = arith.constant 4 : i32
    %div3A = arith.divsi %add3A, %jit3A : i32
    %sign3A = arith.constant 0 : i32
    %sign3A_1 = arith.cmpi sgt, %add3A, %sign3A : i32
    %sign3A_2 = arith.extui %sign3A_1 : i1 to i32
    %sign3A_3 = arith.constant 0 : i32
    %sign3A_4 = arith.cmpi slt, %add3A, %sign3A_3 : i32
    %sign3A_5 = arith.extui %sign3A_4 : i1 to i32
    %sign3A_6 = arith.subi %sign3A_2, %sign3A_5 : i32
    %sign3A_7 = arith.constant 0 : i32
    %sign3A_8 = arith.cmpi sgt, %jit3A, %sign3A_7 : i32
    %sign3A_9 = arith.extui %sign3A_8 : i1 to i32
    %sign3A_10 = arith.constant 0 : i32
    %sign3A_11 = arith.cmpi slt, %jit3A, %sign3A_10 : i32
    %sign3A_12 = arith.extui %sign3A_11 : i1 to i32
    %sign3A_13 = arith.subi %sign3A_9, %sign3A_12 : i32
    %ne3A = arith.cmpi ne, %sign3A_6, %sign3A_13 : i32
    %rem3A = arith.remsi %add3A, %jit3A : i32
    %ne3A_14 = arith.constant 0 : i32
    %ne3A_15 = arith.cmpi ne, %rem3A, %ne3A_14 : i32
    %and3A = arith.andi %ne3A, %ne3A_15 : i1
    %sub3A = arith.constant 1 : i32
    %sub3A_16 = arith.subi %div3A, %sub3A : i32
    %select_n3A = arith.select %and3A, %sub3A_16, %div3A : i32
    %mul3A_17 = arith.constant 16 : i32
    %mul3A_18 = arith.muli %select_n3A, %mul3A_17 : i32
    "tpu.region"() ({
      %run_scoped3A = tpu.sem_alloc : memref<!tpu.dma_semaphore, #tpu.memory_space<semaphore_mem>>
      %dma_start3A_51 = tpu.memref_slice %arg2[%mul3A_18] : memref<128xi32, #tpu.memory_space<hbm>> -> memref<16xi32, #tpu.memory_space<hbm>>
      %dma_start3A_52 = tpu.memref_slice %arg2[%mul3A_18] : memref<128xi32, #tpu.memory_space<hbm>> -> memref<16xi32, #tpu.memory_space<hbm>>
      tpu.enqueue_dma source(%dma_start3A_52 : memref<16xi32, #tpu.memory_space<hbm>>) target(%arg5 : memref<16xi32, #tpu.memory_space<vmem>>) target_semaphore(%run_scoped3A : memref<!tpu.dma_semaphore, #tpu.memory_space<semaphore_mem>>)
      %dma_wait3A_53 = tpu.memref_slice %arg2[%mul3A_18] : memref<128xi32, #tpu.memory_space<hbm>> -> memref<16xi32, #tpu.memory_space<hbm>>
      %dma_wait3A_54 = tpu.memref_slice %arg2[%mul3A_18] : memref<128xi32, #tpu.memory_space<hbm>> -> memref<16xi32, #tpu.memory_space<hbm>>
      tpu.wait_dma2 semaphore(%run_scoped3A : memref<!tpu.dma_semaphore, #tpu.memory_space<semaphore_mem>>) src(%dma_wait3A_54 : memref<16xi32, #tpu.memory_space<hbm>>) dst(%arg5 : memref<16xi32, #tpu.memory_space<vmem>>)
      tpu.yield
    }) : () -> ()
    %dma_start3A = arith.constant 0 : i32
    %dma_start3A_19 = arith.constant 0 : i32
    %dma_start3A_20 = tpu.memref_slice %arg3[%dma_start3A, %dma_start3A_19] : memref<24x256xf32, #tpu.memory_space<hbm>> -> memref<24x256xf32, #tpu.memory_space<hbm>>
    tpu.enqueue_indirect_dma source(%dma_start3A_20 : memref<24x256xf32, #tpu.memory_space<hbm>>) target(%arg6 : memref<16x256xf32, #tpu.memory_space<vmem>>) offsets(%arg5 : memref<16xi32, #tpu.memory_space<vmem>>) semaphore(%arg7 : memref<!tpu.dma_semaphore, #tpu.memory_space<semaphore_mem>>)
    %dma_wait3A = arith.constant 0 : i32
    %dma_wait3A_21 = arith.constant 0 : i32
    %dma_wait3A_22 = tpu.memref_slice %arg3[%dma_wait3A, %dma_wait3A_21] : memref<24x256xf32, #tpu.memory_space<hbm>> -> memref<24x256xf32, #tpu.memory_space<hbm>>
    tpu.wait_indirect_dma semaphore(%arg7 : memref<!tpu.dma_semaphore, #tpu.memory_space<semaphore_mem>>) src(%dma_wait3A_22 : memref<24x256xf32, #tpu.memory_space<hbm>>) dst(%arg6 : memref<16x256xf32, #tpu.memory_space<vmem>>)
    %jit3A_23 = arith.constant 4 : i32
    %eq3A = arith.constant 0 : i32
    %eq3A_24 = arith.cmpi eq, %jit3A_23, %eq3A : i32
    %jit3A_25 = arith.constant 1 : i32
    %select_n3A_26 = arith.select %eq3A_24, %jit3A_25, %jit3A_23 : i32
    %rem3A_27 = arith.remsi %add3A, %select_n3A_26 : i32
    %ne3A_28 = arith.constant 0 : i32
    %ne3A_29 = arith.cmpi ne, %rem3A_27, %ne3A_28 : i32
    %lt3A = arith.constant 0 : i32
    %lt3A_30 = arith.cmpi slt, %rem3A_27, %lt3A : i32
    %lt3A_31 = arith.constant 0 : i32
    %lt3A_32 = arith.cmpi slt, %select_n3A_26, %lt3A_31 : i32
    %ne3A_33 = arith.xori %lt3A_30, %lt3A_32 : i1
    %and3A_34 = arith.andi %ne3A_33, %ne3A_29 : i1
    %add3A_35 = arith.addi %rem3A_27, %select_n3A_26 : i32
    %select_n3A_36 = arith.select %and3A_34, %add3A_35, %rem3A_27 : i32
    %mul3A_37 = arith.constant 4 : i32
    %mul3A_38 = arith.muli %select_n3A_36, %mul3A_37 : i32
    %add3A_39 = arith.constant 0 : i32
    %add3A_40 = arith.addi %mul3A_38, %add3A_39 : i32
    %add3A_41 = arith.addi %mul3A_18, %add3A_40 : i32
    "tpu.region"() ({
      %run_scoped3A = tpu.sem_alloc : memref<!tpu.dma_semaphore, #tpu.memory_space<semaphore_mem>>
      %dma_start3A_51 = arith.constant 0 : i32
      %dma_start3A_52 = tpu.memref_slice %arg6[%add3A_40, %dma_start3A_51] : memref<16x256xf32, #tpu.memory_space<vmem>> -> memref<1x256xf32, #tpu.memory_space<vmem>>
      %dma_start3A_53 = arith.constant 2048 : i32
      %dma_start3A_54 = arith.constant 0 : i32
      %dma_start3A_55 = tpu.memref_slice %arg4[%add3A_41, %dma_start3A_53, %dma_start3A_54] : memref<128x2049x256xf32, #tpu.memory_space<hbm>> -> memref<1x1x256xf32, #tpu.memory_space<hbm>>
      %dma_start3A_56 = tpu.memref_squeeze %dma_start3A_55 : memref<1x1x256xf32, #tpu.memory_space<hbm>> -> memref<1x256xf32, #tpu.memory_space<hbm>>
      %dma_start3A_57 = arith.constant 2048 : i32
      %dma_start3A_58 = arith.constant 0 : i32
      %dma_start3A_59 = tpu.memref_slice %arg4[%add3A_41, %dma_start3A_57, %dma_start3A_58] : memref<128x2049x256xf32, #tpu.memory_space<hbm>> -> memref<1x1x256xf32, #tpu.memory_space<hbm>>
      %dma_start3A_60 = tpu.memref_squeeze %dma_start3A_59 : memref<1x1x256xf32, #tpu.memory_space<hbm>> -> memref<1x256xf32, #tpu.memory_space<hbm>>
      %dma_start3A_61 = arith.constant 0 : i32
      %dma_start3A_62 = tpu.memref_slice %arg6[%add3A_40, %dma_start3A_61] : memref<16x256xf32, #tpu.memory_space<vmem>> -> memref<1x256xf32, #tpu.memory_space<vmem>>
      tpu.enqueue_dma source(%dma_start3A_62 : memref<1x256xf32, #tpu.memory_space<vmem>>) target(%dma_start3A_60 : memref<1x256xf32, #tpu.memory_space<hbm>>) target_semaphore(%run_scoped3A : memref<!tpu.dma_semaphore, #tpu.memory_space<semaphore_mem>>)
      %dma_wait3A_63 = arith.constant 0 : i32
      %dma_wait3A_64 = tpu.memref_slice %arg6[%add3A_40, %dma_wait3A_63] : memref<16x256xf32, #tpu.memory_space<vmem>> -> memref<1x256xf32, #tpu.memory_space<vmem>>
      %dma_wait3A_65 = arith.constant 2048 : i32
      %dma_wait3A_66 = arith.constant 0 : i32
      %dma_wait3A_67 = tpu.memref_slice %arg4[%add3A_41, %dma_wait3A_65, %dma_wait3A_66] : memref<128x2049x256xf32, #tpu.memory_space<hbm>> -> memref<1x1x256xf32, #tpu.memory_space<hbm>>
      %dma_wait3A_68 = tpu.memref_squeeze %dma_wait3A_67 : memref<1x1x256xf32, #tpu.memory_space<hbm>> -> memref<1x256xf32, #tpu.memory_space<hbm>>
      %dma_wait3A_69 = arith.constant 2048 : i32
      %dma_wait3A_70 = arith.constant 0 : i32
      %dma_wait3A_71 = tpu.memref_slice %arg4[%add3A_41, %dma_wait3A_69, %dma_wait3A_70] : memref<128x2049x256xf32, #tpu.memory_space<hbm>> -> memref<1x1x256xf32, #tpu.memory_space<hbm>>
      %dma_wait3A_72 = tpu.memref_squeeze %dma_wait3A_71 : memref<1x1x256xf32, #tpu.memory_space<hbm>> -> memref<1x256xf32, #tpu.memory_space<hbm>>
      %dma_wait3A_73 = arith.constant 0 : i32
      %dma_wait3A_74 = tpu.memref_slice %arg6[%add3A_40, %dma_wait3A_73] : memref<16x256xf32, #tpu.memory_space<vmem>> -> memref<1x256xf32, #tpu.memory_space<vmem>>
      tpu.wait_dma2 semaphore(%run_scoped3A : memref<!tpu.dma_semaphore, #tpu.memory_space<semaphore_mem>>) src(%dma_wait3A_74 : memref<1x256xf32, #tpu.memory_space<vmem>>) dst(%dma_wait3A_72 : memref<1x256xf32, #tpu.memory_space<hbm>>)
      tpu.yield
    }) : () -> ()
    %add3A_42 = arith.constant 1 : i32
    %add3A_43 = arith.addi %mul3A_38, %add3A_42 : i32
    %add3A_44 = arith.addi %mul3A_18, %add3A_43 : i32
    "tpu.region"() ({
      %run_scoped3A = tpu.sem_alloc : memref<!tpu.dma_semaphore, #tpu.memory_space<semaphore_mem>>
      %dma_start3A_51 = arith.constant 0 : i32
      %dma_start3A_52 = tpu.memref_slice %arg6[%add3A_43, %dma_start3A_51] : memref<16x256xf32, #tpu.memory_space<vmem>> -> memref<1x256xf32, #tpu.memory_space<vmem>>
      %dma_start3A_53 = arith.constant 2048 : i32
      %dma_start3A_54 = arith.constant 0 : i32
      %dma_start3A_55 = tpu.memref_slice %arg4[%add3A_44, %dma_start3A_53, %dma_start3A_54] : memref<128x2049x256xf32, #tpu.memory_space<hbm>> -> memref<1x1x256xf32, #tpu.memory_space<hbm>>
      %dma_start3A_56 = tpu.memref_squeeze %dma_start3A_55 : memref<1x1x256xf32, #tpu.memory_space<hbm>> -> memref<1x256xf32, #tpu.memory_space<hbm>>
      %dma_start3A_57 = arith.constant 2048 : i32
      %dma_start3A_58 = arith.constant 0 : i32
      %dma_start3A_59 = tpu.memref_slice %arg4[%add3A_44, %dma_start3A_57, %dma_start3A_58] : memref<128x2049x256xf32, #tpu.memory_space<hbm>> -> memref<1x1x256xf32, #tpu.memory_space<hbm>>
      %dma_start3A_60 = tpu.memref_squeeze %dma_start3A_59 : memref<1x1x256xf32, #tpu.memory_space<hbm>> -> memref<1x256xf32, #tpu.memory_space<hbm>>
      %dma_start3A_61 = arith.constant 0 : i32
      %dma_start3A_62 = tpu.memref_slice %arg6[%add3A_43, %dma_start3A_61] : memref<16x256xf32, #tpu.memory_space<vmem>> -> memref<1x256xf32, #tpu.memory_space<vmem>>
      tpu.enqueue_dma source(%dma_start3A_62 : memref<1x256xf32, #tpu.memory_space<vmem>>) target(%dma_start3A_60 : memref<1x256xf32, #tpu.memory_space<hbm>>) target_semaphore(%run_scoped3A : memref<!tpu.dma_semaphore, #tpu.memory_space<semaphore_mem>>)
      %dma_wait3A_63 = arith.constant 0 : i32
      %dma_wait3A_64 = tpu.memref_slice %arg6[%add3A_43, %dma_wait3A_63] : memref<16x256xf32, #tpu.memory_space<vmem>> -> memref<1x256xf32, #tpu.memory_space<vmem>>
      %dma_wait3A_65 = arith.constant 2048 : i32
      %dma_wait3A_66 = arith.constant 0 : i32
      %dma_wait3A_67 = tpu.memref_slice %arg4[%add3A_44, %dma_wait3A_65, %dma_wait3A_66] : memref<128x2049x256xf32, #tpu.memory_space<hbm>> -> memref<1x1x256xf32, #tpu.memory_space<hbm>>
      %dma_wait3A_68 = tpu.memref_squeeze %dma_wait3A_67 : memref<1x1x256xf32, #tpu.memory_space<hbm>> -> memref<1x256xf32, #tpu.memory_space<hbm>>
      %dma_wait3A_69 = arith.constant 2048 : i32
      %dma_wait3A_70 = arith.constant 0 : i32
      %dma_wait3A_71 = tpu.memref_slice %arg4[%add3A_44, %dma_wait3A_69, %dma_wait3A_70] : memref<128x2049x256xf32, #tpu.memory_space<hbm>> -> memref<1x1x256xf32, #tpu.memory_space<hbm>>
      %dma_wait3A_72 = tpu.memref_squeeze %dma_wait3A_71 : memref<1x1x256xf32, #tpu.memory_space<hbm>> -> memref<1x256xf32, #tpu.memory_space<hbm>>
      %dma_wait3A_73 = arith.constant 0 : i32
      %dma_wait3A_74 = tpu.memref_slice %arg6[%add3A_43, %dma_wait3A_73] : memref<16x256xf32, #tpu.memory_space<vmem>> -> memref<1x256xf32, #tpu.memory_space<vmem>>
      tpu.wait_dma2 semaphore(%run_scoped3A : memref<!tpu.dma_semaphore, #tpu.memory_space<semaphore_mem>>) src(%dma_wait3A_74 : memref<1x256xf32, #tpu.memory_space<vmem>>) dst(%dma_wait3A_72 : memref<1x256xf32, #tpu.memory_space<hbm>>)
      tpu.yield
    }) : () -> ()
    %add3A_45 = arith.constant 2 : i32
    %add3A_46 = arith.addi %mul3A_38, %add3A_45 : i32
    %add3A_47 = arith.addi %mul3A_18, %add3A_46 : i32
    "tpu.region"() ({
      %run_scoped3A = tpu.sem_alloc : memref<!tpu.dma_semaphore, #tpu.memory_space<semaphore_mem>>
      %dma_start3A_51 = arith.constant 0 : i32
      %dma_start3A_52 = tpu.memref_slice %arg6[%add3A_46, %dma_start3A_51] : memref<16x256xf32, #tpu.memory_space<vmem>> -> memref<1x256xf32, #tpu.memory_space<vmem>>
      %dma_start3A_53 = arith.constant 2048 : i32
      %dma_start3A_54 = arith.constant 0 : i32
      %dma_start3A_55 = tpu.memref_slice %arg4[%add3A_47, %dma_start3A_53, %dma_start3A_54] : memref<128x2049x256xf32, #tpu.memory_space<hbm>> -> memref<1x1x256xf32, #tpu.memory_space<hbm>>
      %dma_start3A_56 = tpu.memref_squeeze %dma_start3A_55 : memref<1x1x256xf32, #tpu.memory_space<hbm>> -> memref<1x256xf32, #tpu.memory_space<hbm>>
      %dma_start3A_57 = arith.constant 2048 : i32
      %dma_start3A_58 = arith.constant 0 : i32
      %dma_start3A_59 = tpu.memref_slice %arg4[%add3A_47, %dma_start3A_57, %dma_start3A_58] : memref<128x2049x256xf32, #tpu.memory_space<hbm>> -> memref<1x1x256xf32, #tpu.memory_space<hbm>>
      %dma_start3A_60 = tpu.memref_squeeze %dma_start3A_59 : memref<1x1x256xf32, #tpu.memory_space<hbm>> -> memref<1x256xf32, #tpu.memory_space<hbm>>
      %dma_start3A_61 = arith.constant 0 : i32
      %dma_start3A_62 = tpu.memref_slice %arg6[%add3A_46, %dma_start3A_61] : memref<16x256xf32, #tpu.memory_space<vmem>> -> memref<1x256xf32, #tpu.memory_space<vmem>>
      tpu.enqueue_dma source(%dma_start3A_62 : memref<1x256xf32, #tpu.memory_space<vmem>>) target(%dma_start3A_60 : memref<1x256xf32, #tpu.memory_space<hbm>>) target_semaphore(%run_scoped3A : memref<!tpu.dma_semaphore, #tpu.memory_space<semaphore_mem>>)
      %dma_wait3A_63 = arith.constant 0 : i32
      %dma_wait3A_64 = tpu.memref_slice %arg6[%add3A_46, %dma_wait3A_63] : memref<16x256xf32, #tpu.memory_space<vmem>> -> memref<1x256xf32, #tpu.memory_space<vmem>>
      %dma_wait3A_65 = arith.constant 2048 : i32
      %dma_wait3A_66 = arith.constant 0 : i32
      %dma_wait3A_67 = tpu.memref_slice %arg4[%add3A_47, %dma_wait3A_65, %dma_wait3A_66] : memref<128x2049x256xf32, #tpu.memory_space<hbm>> -> memref<1x1x256xf32, #tpu.memory_space<hbm>>
      %dma_wait3A_68 = tpu.memref_squeeze %dma_wait3A_67 : memref<1x1x256xf32, #tpu.memory_space<hbm>> -> memref<1x256xf32, #tpu.memory_space<hbm>>
      %dma_wait3A_69 = arith.constant 2048 : i32
      %dma_wait3A_70 = arith.constant 0 : i32
      %dma_wait3A_71 = tpu.memref_slice %arg4[%add3A_47, %dma_wait3A_69, %dma_wait3A_70] : memref<128x2049x256xf32, #tpu.memory_space<hbm>> -> memref<1x1x256xf32, #tpu.memory_space<hbm>>
      %dma_wait3A_72 = tpu.memref_squeeze %dma_wait3A_71 : memref<1x1x256xf32, #tpu.memory_space<hbm>> -> memref<1x256xf32, #tpu.memory_space<hbm>>
      %dma_wait3A_73 = arith.constant 0 : i32
      %dma_wait3A_74 = tpu.memref_slice %arg6[%add3A_46, %dma_wait3A_73] : memref<16x256xf32, #tpu.memory_space<vmem>> -> memref<1x256xf32, #tpu.memory_space<vmem>>
      tpu.wait_dma2 semaphore(%run_scoped3A : memref<!tpu.dma_semaphore, #tpu.memory_space<semaphore_mem>>) src(%dma_wait3A_74 : memref<1x256xf32, #tpu.memory_space<vmem>>) dst(%dma_wait3A_72 : memref<1x256xf32, #tpu.memory_space<hbm>>)
      tpu.yield
    }) : () -> ()
    %add3A_48 = arith.constant 3 : i32
    %add3A_49 = arith.addi %mul3A_38, %add3A_48 : i32
    %add3A_50 = arith.addi %mul3A_18, %add3A_49 : i32
    "tpu.region"() ({
      %run_scoped3A = tpu.sem_alloc : memref<!tpu.dma_semaphore, #tpu.memory_space<semaphore_mem>>
      %dma_start3A_51 = arith.constant 0 : i32
      %dma_start3A_52 = tpu.memref_slice %arg6[%add3A_49, %dma_start3A_51] : memref<16x256xf32, #tpu.memory_space<vmem>> -> memref<1x256xf32, #tpu.memory_space<vmem>>
      %dma_start3A_53 = arith.constant 2048 : i32
      %dma_start3A_54 = arith.constant 0 : i32
      %dma_start3A_55 = tpu.memref_slice %arg4[%add3A_50, %dma_start3A_53, %dma_start3A_54] : memref<128x2049x256xf32, #tpu.memory_space<hbm>> -> memref<1x1x256xf32, #tpu.memory_space<hbm>>
      %dma_start3A_56 = tpu.memref_squeeze %dma_start3A_55 : memref<1x1x256xf32, #tpu.memory_space<hbm>> -> memref<1x256xf32, #tpu.memory_space<hbm>>
      %dma_start3A_57 = arith.constant 2048 : i32
      %dma_start3A_58 = arith.constant 0 : i32
      %dma_start3A_59 = tpu.memref_slice %arg4[%add3A_50, %dma_start3A_57, %dma_start3A_58] : memref<128x2049x256xf32, #tpu.memory_space<hbm>> -> memref<1x1x256xf32, #tpu.memory_space<hbm>>
      %dma_start3A_60 = tpu.memref_squeeze %dma_start3A_59 : memref<1x1x256xf32, #tpu.memory_space<hbm>> -> memref<1x256xf32, #tpu.memory_space<hbm>>
      %dma_start3A_61 = arith.constant 0 : i32
      %dma_start3A_62 = tpu.memref_slice %arg6[%add3A_49, %dma_start3A_61] : memref<16x256xf32, #tpu.memory_space<vmem>> -> memref<1x256xf32, #tpu.memory_space<vmem>>
      tpu.enqueue_dma source(%dma_start3A_62 : memref<1x256xf32, #tpu.memory_space<vmem>>) target(%dma_start3A_60 : memref<1x256xf32, #tpu.memory_space<hbm>>) target_semaphore(%run_scoped3A : memref<!tpu.dma_semaphore, #tpu.memory_space<semaphore_mem>>)
      %dma_wait3A_63 = arith.constant 0 : i32
      %dma_wait3A_64 = tpu.memref_slice %arg6[%add3A_49, %dma_wait3A_63] : memref<16x256xf32, #tpu.memory_space<vmem>> -> memref<1x256xf32, #tpu.memory_space<vmem>>
      %dma_wait3A_65 = arith.constant 2048 : i32
      %dma_wait3A_66 = arith.constant 0 : i32
      %dma_wait3A_67 = tpu.memref_slice %arg4[%add3A_50, %dma_wait3A_65, %dma_wait3A_66] : memref<128x2049x256xf32, #tpu.memory_space<hbm>> -> memref<1x1x256xf32, #tpu.memory_space<hbm>>
      %dma_wait3A_68 = tpu.memref_squeeze %dma_wait3A_67 : memref<1x1x256xf32, #tpu.memory_space<hbm>> -> memref<1x256xf32, #tpu.memory_space<hbm>>
      %dma_wait3A_69 = arith.constant 2048 : i32
      %dma_wait3A_70 = arith.constant 0 : i32
      %dma_wait3A_71 = tpu.memref_slice %arg4[%add3A_50, %dma_wait3A_69, %dma_wait3A_70] : memref<128x2049x256xf32, #tpu.memory_space<hbm>> -> memref<1x1x256xf32, #tpu.memory_space<hbm>>
      %dma_wait3A_72 = tpu.memref_squeeze %dma_wait3A_71 : memref<1x1x256xf32, #tpu.memory_space<hbm>> -> memref<1x256xf32, #tpu.memory_space<hbm>>
      %dma_wait3A_73 = arith.constant 0 : i32
      %dma_wait3A_74 = tpu.memref_slice %arg6[%add3A_49, %dma_wait3A_73] : memref<16x256xf32, #tpu.memory_space<vmem>> -> memref<1x256xf32, #tpu.memory_space<vmem>>
      tpu.wait_dma2 semaphore(%run_scoped3A : memref<!tpu.dma_semaphore, #tpu.memory_space<semaphore_mem>>) src(%dma_wait3A_74 : memref<1x256xf32, #tpu.memory_space<vmem>>) dst(%dma_wait3A_72 : memref<1x256xf32, #tpu.memory_space<hbm>>)
      tpu.yield
    }) : () -> ()
    return
  }
}

module attributes {stable_mosaic.version = 14 : i64} {
  func.func @_tc_body(%arg0: i32, %arg1: memref<128xi32, #tpu.memory_space<smem>>, %arg2: memref<24x256xf32, #tpu.memory_space<vmem>>, %arg3: memref<128x2049x256xf32, #tpu.memory_space<any>>, %arg4: memref<128x2049x256xf32, #tpu.memory_space<any>>, %arg5: memref<6x2048x256xf32, #tpu.memory_space<vmem>>, %arg6: memref<6x!tpu.dma_semaphore, #tpu.memory_space<semaphore_mem>>) attributes {dimension_semantics = [#tpu.dimension_semantics<arbitrary>], iteration_bounds = array<i64: 1>, scalar_prefetch = 1 : i64, scratch_operands = 2 : i64, tpu.core_type = #tpu.core_type<tc>, window_params = [{pipeline_mode = #tpu.pipeline_mode<synchronous>, transform_indices = @transform_0, window_bounds = array<i64: 24, 256>}, {}, {}]} {
    %scan3A = arith.constant 0 : i32
    %scan3A_0 = arith.constant 128 : i32
    %scan3A_1 = arith.addi %scan3A, %scan3A_0 : i32
    %scan3A_2 = arith.constant 1 : i32
    scf.for %scan3A_9 = %scan3A to %scan3A_1 step %scan3A_2  : i32 {
      %rem3A = arith.constant 6 : i32
      %rem3A_10 = arith.remsi %scan3A_9, %rem3A : i32
      %ge3A = arith.constant 6 : i32
      %ge3A_11 = arith.cmpi sge, %scan3A_9, %ge3A : i32
      %convert_element_type3A = arith.extui %ge3A_11 : i1 to i32
      %cond3A = arith.constant 0 : i32
      %cond3A_12 = arith.cmpi ne, %convert_element_type3A, %cond3A : i32
      scf.if %cond3A_12 {
        %sub3A = arith.constant 6 : i32
        %sub3A_31 = arith.subi %scan3A_9, %sub3A : i32
        %dma_wait3A = tpu.memref_slice %arg6[%rem3A_10] : memref<6x!tpu.dma_semaphore, #tpu.memory_space<semaphore_mem>> -> memref<1x!tpu.dma_semaphore, #tpu.memory_space<semaphore_mem>>
        %dma_wait3A_32 = tpu.memref_squeeze %dma_wait3A : memref<1x!tpu.dma_semaphore, #tpu.memory_space<semaphore_mem>> -> memref<!tpu.dma_semaphore, #tpu.memory_space<semaphore_mem>>
        %dma_wait3A_33 = arith.constant 0 : i32
        %dma_wait3A_34 = arith.constant 0 : i32
        %dma_wait3A_35 = tpu.memref_slice %arg4[%sub3A_31, %dma_wait3A_33, %dma_wait3A_34] : memref<128x2049x256xf32, #tpu.memory_space<any>> -> memref<1x2048x256xf32, #tpu.memory_space<any>>
        %dma_wait3A_36 = tpu.memref_squeeze %dma_wait3A_35 : memref<1x2048x256xf32, #tpu.memory_space<any>> -> memref<2048x256xf32, #tpu.memory_space<any>>
        %dma_wait3A_37 = arith.constant 0 : i32
        %dma_wait3A_38 = arith.constant 0 : i32
        %dma_wait3A_39 = tpu.memref_slice %arg5[%rem3A_10, %dma_wait3A_37, %dma_wait3A_38] : memref<6x2048x256xf32, #tpu.memory_space<vmem>> -> memref<1x2048x256xf32, #tpu.memory_space<vmem>>
        %dma_wait3A_40 = tpu.memref_squeeze %dma_wait3A_39 : memref<1x2048x256xf32, #tpu.memory_space<vmem>> -> memref<2048x256xf32, #tpu.memory_space<vmem>>
        tpu.wait_dma2 semaphore(%dma_wait3A_32 : memref<!tpu.dma_semaphore, #tpu.memory_space<semaphore_mem>>) src(%dma_wait3A_40 : memref<2048x256xf32, #tpu.memory_space<vmem>>) dst(%dma_wait3A_36 : memref<2048x256xf32, #tpu.memory_space<any>>)
      } else {
      }
      %get3A = arith.index_cast %scan3A_9 : i32 to index
      %get3A_13 = memref.load %arg1[%get3A] : memref<128xi32, #tpu.memory_space<smem>>
      %get3A_14 = arith.index_cast %get3A_13 : i32 to index
      %get3A_15 = arith.constant 0 : index
      %get3A_16 = vector.load %arg2[%get3A_14, %get3A_15] : memref<24x256xf32, #tpu.memory_space<vmem>>, vector<1x256xf32>
      %get3A_17 = vector.shape_cast %get3A_16 : vector<1x256xf32> to vector<256xf32>
      %reshape3A = vector.shape_cast %get3A_17 : vector<256xf32> to vector<1x1x256xf32>
      %broadcast_in_dim3A = vector.shape_cast %reshape3A : vector<1x1x256xf32> to vector<1x1x256xf32>
      %broadcast_in_dim3A_18 = vector.broadcast %broadcast_in_dim3A : vector<1x1x256xf32> to vector<1x2048x256xf32>
      %swap3A = arith.index_cast %rem3A_10 : i32 to index
      %swap3A_19 = arith.constant 0 : index
      %swap3A_20 = arith.constant 0 : index
      %swap3A_21 = vector.load %arg5[%swap3A, %swap3A_19, %swap3A_20] : memref<6x2048x256xf32, #tpu.memory_space<vmem>>, vector<1x2048x256xf32>
      tpu.vector_store %arg5[%swap3A, %swap3A_19, %swap3A_20], %broadcast_in_dim3A_18 {strides = array<i32>} : memref<6x2048x256xf32, #tpu.memory_space<vmem>>, vector<1x2048x256xf32>,
      %dma_start3A = tpu.memref_slice %arg6[%rem3A_10] : memref<6x!tpu.dma_semaphore, #tpu.memory_space<semaphore_mem>> -> memref<1x!tpu.dma_semaphore, #tpu.memory_space<semaphore_mem>>
      %dma_start3A_22 = tpu.memref_squeeze %dma_start3A : memref<1x!tpu.dma_semaphore, #tpu.memory_space<semaphore_mem>> -> memref<!tpu.dma_semaphore, #tpu.memory_space<semaphore_mem>>
      %dma_start3A_23 = arith.constant 0 : i32
      %dma_start3A_24 = arith.constant 0 : i32
      %dma_start3A_25 = tpu.memref_slice %arg4[%scan3A_9, %dma_start3A_23, %dma_start3A_24] : memref<128x2049x256xf32, #tpu.memory_space<any>> -> memref<1x2048x256xf32, #tpu.memory_space<any>>
      %dma_start3A_26 = tpu.memref_squeeze %dma_start3A_25 : memref<1x2048x256xf32, #tpu.memory_space<any>> -> memref<2048x256xf32, #tpu.memory_space<any>>
      %dma_start3A_27 = arith.constant 0 : i32
      %dma_start3A_28 = arith.constant 0 : i32
      %dma_start3A_29 = tpu.memref_slice %arg5[%rem3A_10, %dma_start3A_27, %dma_start3A_28] : memref<6x2048x256xf32, #tpu.memory_space<vmem>> -> memref<1x2048x256xf32, #tpu.memory_space<vmem>>
      %dma_start3A_30 = tpu.memref_squeeze %dma_start3A_29 : memref<1x2048x256xf32, #tpu.memory_space<vmem>> -> memref<2048x256xf32, #tpu.memory_space<vmem>>
      tpu.enqueue_dma source(%dma_start3A_30 : memref<2048x256xf32, #tpu.memory_space<vmem>>) target(%dma_start3A_26 : memref<2048x256xf32, #tpu.memory_space<any>>) target_semaphore(%dma_start3A_22 : memref<!tpu.dma_semaphore, #tpu.memory_space<semaphore_mem>>)
    }
    %scan3A_3 = arith.constant 128 : i32
    %scan3A_4 = arith.constant 0 : i32
    %scan3A_5 = arith.constant 6 : i32
    %scan3A_6 = arith.addi %scan3A_4, %scan3A_5 : i32
    %scan3A_7 = arith.constant 1 : i32
    scf.for %scan3A_9 = %scan3A_4 to %scan3A_6 step %scan3A_7  : i32 {
      %add3A = arith.constant 122 : i32
      %add3A_10 = arith.addi %add3A, %scan3A_9 : i32
      %rem3A = arith.constant 6 : i32
      %rem3A_11 = arith.remsi %add3A_10, %rem3A : i32
      %dma_wait3A = tpu.memref_slice %arg6[%rem3A_11] : memref<6x!tpu.dma_semaphore, #tpu.memory_space<semaphore_mem>> -> memref<1x!tpu.dma_semaphore, #tpu.memory_space<semaphore_mem>>
      %dma_wait3A_12 = tpu.memref_squeeze %dma_wait3A : memref<1x!tpu.dma_semaphore, #tpu.memory_space<semaphore_mem>> -> memref<!tpu.dma_semaphore, #tpu.memory_space<semaphore_mem>>
      %dma_wait3A_13 = arith.constant 0 : i32
      %dma_wait3A_14 = arith.constant 0 : i32
      %dma_wait3A_15 = tpu.memref_slice %arg4[%add3A_10, %dma_wait3A_13, %dma_wait3A_14] : memref<128x2049x256xf32, #tpu.memory_space<any>> -> memref<1x2048x256xf32, #tpu.memory_space<any>>
      %dma_wait3A_16 = tpu.memref_squeeze %dma_wait3A_15 : memref<1x2048x256xf32, #tpu.memory_space<any>> -> memref<2048x256xf32, #tpu.memory_space<any>>
      %dma_wait3A_17 = arith.constant 0 : i32
      %dma_wait3A_18 = arith.constant 0 : i32
      %dma_wait3A_19 = tpu.memref_slice %arg5[%rem3A_11, %dma_wait3A_17, %dma_wait3A_18] : memref<6x2048x256xf32, #tpu.memory_space<vmem>> -> memref<1x2048x256xf32, #tpu.memory_space<vmem>>
      %dma_wait3A_20 = tpu.memref_squeeze %dma_wait3A_19 : memref<1x2048x256xf32, #tpu.memory_space<vmem>> -> memref<2048x256xf32, #tpu.memory_space<vmem>>
      tpu.wait_dma2 semaphore(%dma_wait3A_12 : memref<!tpu.dma_semaphore, #tpu.memory_space<semaphore_mem>>) src(%dma_wait3A_20 : memref<2048x256xf32, #tpu.memory_space<vmem>>) dst(%dma_wait3A_16 : memref<2048x256xf32, #tpu.memory_space<any>>)
    }
    %scan3A_8 = arith.constant 6 : i32
    return
  }
  func.func @transform_0(%arg0: i32, %arg1: memref<128xi32, #tpu.memory_space<smem>>) -> (i32, i32) {
    %c0_i32 = arith.constant 0 : i32
    %c0_i32_0 = arith.constant 0 : i32
    %c0_i32_1 = arith.constant 0 : i32
    return %c0_i32, %c0_i32_0 : i32, i32
  }
}

</mosaic_0001>

<sc_bundles>
// kernel: kernel.4.cloned.1.call-start
scs
__scs_entry_jumppad:
0x0: {  	(pc) =	sbr.rel $0x88, $3  }
0x1: {  	(tag) =	ssettag $0x0;
	lr =	simm.s32 $0x1  }
0x2: {  	[smem:$0x3F9F] =	sst lr;
	_ =	strace $0xD0000000  }
0x3: {  	_ = 	snop  }
0x4: {  	_ = 	snop  }
0x5: {  	_ = 	snop  }
0x6: {  	_ = 	snop  }
0x7: {  	_ = 	snop  }
__scs_overlays_trampoline_lowered:
0x8: {  	[smem:$0x3FAE] =	sst s0  }
0x9: {  	[smem:$0x3FAF] =	sst s1  }
0xa: {  	[smem:$0x3FB0] =	sst s2  }
0xb: {  	[smem:$0x3FB1] =	sst s3  }
0xc: {  	[smem:$0x3FB2] =	sst s4  }
0xd: {  	[smem:$0x3FB3] =	sst s5  }
0xe: {  	[smem:$0x3FB4] =	sst s6  }
0xf: {  	[smem:$0x3FB5] =	sst s7  }
0x10: {  	[smem:$0x3FB6] =	sst s8  }
0x11: {  	[smem:$0x3FB7] =	sst s9;
	s0 =	simm.s32 @!p0 $0x0  }
0x12: {  	s1 =	sld [smem:$0x3F9D];
	s0 =	simm.s32 @p0 $0x1  }
0x13: {  	[smem:$0x3FB8] =	sst s0;
	s0 =	simm.s32 @!p1 $0x0  }
0x14: {  	s2 =	sld [smem:$0x3F9C];
	s0 =	simm.s32 @p1 $0x1  }
0x15: {  	[smem:$0x3FB9] =	sst s0;
	s0 =	simm.s32 @!p2 $0x0  }
0x16: {  	s3 =	sld [smem:$0x3FDB];
	s0 =	simm.s32 @p2 $0x1  }
0x17: {  	s4 =	simm.s32 $0x1BF5;
	[smem:$0x3FBB] =	sst s0  }
0x18: {  	s0 =	sld [smem:$0x3F9E];
	_ =	swait.ge [sflag:s4], $0x0  }
0x19: {  	s7 =	sld [smem:$0x3F9F]  }
0x1a: {  	s8 =	sadd.s32 $0xFFFFE003, lr  }
0x1b: {  	s9 =	sadd.s32 $0xFFFFFEF7, lr;
	s5 =	simm.s32 $0xFFFFFFFF;
	p2 =	slt.u32 s8, $0xFFFFF086  }
0x1c: {  	p1 =	slt.u32 s9, $0xF7A;
	s5 =	simm.s32 @!p2 $0x0  }
0x1d: {  	s5 =	simm.s32 @p1 $0x1;
	p0 =	seq.s32 s7, s2  }
0x1e: {  	s7 =	smul.u32 @!p0 $0xF7A, s2;
	p2 =	seq.s32 @!p0 s5, $0x0  }
0x1f: {  	s9 =	smul.u32 $0xF7A, s1;
	s8 =	simm.s32 @!p0 $0x1BF5;
	p2 =	por !p2, p0  }
0x20: {  	[sflag:s8] =	ssyncset.s32 @!p0 $0xFFFFF086;
	s6 =	sadd.s32 @!p0 s3, s7;
	s7 =	simm.s32 @!p0 $0x108  }
0x21: {  	s3 =	sadd.s32 s3, s9;
	s6 =	sadd.s32 @!p0 $0x88, s6;
	s7 =	simm.s32 @p2 $0x1082  }
0x22: {  	[simem:s7], [sflag:s8] =	dma.local @!p0 [hbm:s6], $0xF7A  }
0x23: {  	s9 =	sor.u32 $0xD0000000, s2;
	s6 =	simm.s32 $0x108;
	_ =	swait.ge @!p0 [sflag:s8], $0x0  }
0x24: {  	s3 =	sadd.s32 $0x88, s3;
	s6 =	simm.s32 @!p1 $0x1082;
	[sflag:s4] =	ssyncset.s32 $0xFFFFF086  }
0x25: {  	[simem:s6], [sflag:s4] =	dma.local [hbm:s3], $0xF7A  }
0x26: {  	[smem:$0x3F9F] =	sst s1;
	(tag) =	ssettag s2;
	_ =	strace s9  }
0x27: {  	s1 =	sld [smem:$0x3FAF]  }
0x28: {  	s2 =	sld [smem:$0x3FB0]  }
0x29: {  	s4 =	sld [smem:$0x3FB2]  }
0x2a: {  	p0 =	seq.s32 s5, $0x0;
	s5 =	sld [smem:$0x3FB3]  }
0x2b: {  	s6 =	sld [smem:$0x3FB4]  }
0x2c: {  	s7 =	sld [smem:$0x3FB5]  }
0x2d: {  	s3 =	simm.s32 $0x108;
	s8 =	sld [smem:$0x3FB6]  }
0x2e: {  	s3 =	simm.s32 @!p0 $0x1082;
	s9 =	sld [smem:$0x3FB7]  }
0x2f: {  	lr =	sadd.s32 s0, s3;
	s0 =	sld [smem:$0x3FAE]  }
0x30: {  	s3 =	sld [smem:$0x3FB1]  }
0x31: {  	[smem:$0x3FBA] =	sst s10  }
0x32: {  	s10 =	sld [smem:$0x3FB8];
	_ =	sdelay $0x3  }
0x33: {  	p0 =	seq.s32 s10, $0x1;
	s10 =	sld [smem:$0x3FBA];
	_ =	sdelay $0x3  }
0x34: {  	[smem:$0x3FBA] =	sst s10  }
0x35: {  	s10 =	sld [smem:$0x3FB9];
	_ =	sdelay $0x3  }
0x36: {  	p1 =	seq.s32 s10, $0x1;
	s10 =	sld [smem:$0x3FBA];
	_ =	sdelay $0x3  }
0x37: {  	[smem:$0x3FBA] =	sst s10  }
0x38: {  	s10 =	sld [smem:$0x3FBB]  }
0x39: {  	_ = 	snop;
	(pc) =	sbr.ind lr, $3  }
0x3a: {  	_ = 	snop  }
0x3b: {  	_ = 	snop  }
0x3c: {  	p2 =	seq.s32 s10, $0x1;
	s10 =	sld [smem:$0x3FBA]  }
0x3d: {  	_ =	shalt  }
0x3e: {  	_ =	shalt  }
0x3f: {  	_ =	shalt  }
0x40: {  	_ =	shalt  }
0x41: {  	_ =	shalt  }
0x42: {  	_ =	shalt  }
0x43: {  	_ =	shalt  }
0x44: {  	_ =	shalt  }
0x45: {  	_ =	shalt  }
0x46: {  	_ =	shalt  }
0x47: {  	_ =	shalt  }
0x48: {  	_ =	shalt  }
0x49: {  	_ =	shalt  }
0x4a: {  	_ =	shalt  }
0x4b: {  	_ =	shalt  }
0x4c: {  	_ =	shalt  }
0x4d: {  	_ =	shalt  }
0x4e: {  	_ =	shalt  }
0x4f: {  	_ =	shalt  }
0x50: {  	_ =	shalt  }
0x51: {  	_ =	shalt  }
0x52: {  	_ =	shalt  }
0x53: {  	_ =	shalt  }
0x54: {  	_ =	shalt  }
0x55: {  	_ =	shalt  }
0x56: {  	_ =	shalt  }
0x57: {  	_ =	shalt  }
0x58: {  	_ =	shalt  }
0x59: {  	_ =	shalt  }
0x5a: {  	_ =	shalt  }
0x5b: {  	_ =	shalt  }
0x5c: {  	_ =	shalt  }
0x5d: {  	_ =	shalt  }
0x5e: {  	_ =	shalt  }
0x5f: {  	_ =	shalt  }
0x60: {  	_ =	shalt  }
0x61: {  	_ =	shalt  }
0x62: {  	_ =	shalt  }
0x63: {  	_ =	shalt  }
0x64: {  	_ =	shalt  }
0x65: {  	_ =	shalt  }
0x66: {  	_ =	shalt  }
0x67: {  	_ =	shalt  }
0x68: {  	_ =	shalt  }
0x69: {  	_ =	shalt  }
0x6a: {  	_ =	shalt  }
0x6b: {  	_ =	shalt  }
0x6c: {  	_ =	shalt  }
0x6d: {  	_ =	shalt  }
0x6e: {  	_ =	shalt  }
0x6f: {  	_ =	shalt  }
0x70: {  	_ =	shalt  }
0x71: {  	_ =	shalt  }
0x72: {  	_ =	shalt  }
0x73: {  	_ =	shalt  }
0x74: {  	_ =	shalt  }
0x75: {  	_ =	shalt  }
0x76: {  	_ =	shalt  }
0x77: {  	_ =	shalt  }
0x78: {  	_ =	shalt  }
0x79: {  	_ =	shalt  }
0x7a: {  	_ =	shalt  }
0x7b: {  	_ =	shalt  }
0x7c: {  	_ =	shalt  }
0x7d: {  	_ =	shalt  }
0x7e: {  	_ =	shalt  }
0x7f: {  	_ =	shalt  }
0x80: {  	_ =	shalt  }
0x81: {  	_ =	shalt  }
0x82: {  	_ =	shalt  }
0x83: {  	_ =	shalt  }
0x84: {  	_ =	shalt  }
0x85: {  	_ =	shalt  }
0x86: {  	_ =	shalt  }
0x87: {  	_ =	shalt  }
.Lfunc_end0:
.L_simem_size_0:
called_computation_lowered:
.L_overlay_start_0:
0x88: {  	s2 =	sld [smem:$0x3FD9]  }
0x89: {  	s3 =	sld [smem:$0x3FFE];
	_ =	sdelay $0x1  }
0x8a: {  	s1 =	srdreg.scid  }
0x8b: {  	s0 =	sand.u32 $0x1, s1  }
0x8c: {  	s17 =	sshll.u32 s0, $0xA;
	s2 =	sadd.s32 s3, s2  }
0x8d: {  	s2 =	sadd.s32 s2, s17  }
0x8e: {  	[smem:$0x3FC6] =	sst s2  }
0x8f: {  	_ = 	snop  }
0x90: {  	s2 =	sld [smem:$0x3FC8]  }
0x91: {  	s18 =	sld [smem:$0x3FD0];
	(tm) =	ssettm $0x1  }
0x92: {  	s4 =	sld [smem:$0x3FFB];
	_ =	sdelay $0x3  }
0x93: {  	_ =	strace s4  }
0x94: {  	s4 =	sld [smem:$0x3FFC];
	_ =	sdelay $0x3  }
0x95: {  	_ =	strace s4  }
0x96: {  	s4 =	sld [smem:$0x3FFD];
	_ =	sdelay $0x3  }
0x97: {  	_ =	strace s4  }
0x98: {  	_ =	strace $0x8FFFFFFF  }
0x99: {  	s19 =	sld [smem:$0x3FDB];
	_ =	sdelay $0x1  }
0x9a: {  	s5 =	simm.s32 $_scs_section_size  }
0x9b: {  	s6 =	simm.s32 $_size__tile_overlayer_lowered;
	s7 =	simm.s32 $_tile_overlayer_lowered  }
0x9c: {  	s22 =	simm.s32 $0x1BFF;
	s21 =	sshll.u32 s7, $0x1;
	s4 =	sadd.s32 s5, s19  }
0x9d: {  	s8 =	simm.s32 $0x0;
	s20 =	sshll.u32 s6, $0x1;
	s6 =	sadd.s32 s21, s4  }
0x9e: {  	[timem:s8], [sflag:s22] =	dma.local [hbm:s6], s20  }
0x9f: {  	_ =	swait.ge [sflag:s22], s20  }
0xa0: {  	s5 =	ssub.s32 $0x0, s20;
	[sflag:s22] =	ssyncset.done $0x0  }
0xa1: {  	[sflag:s22] =	ssyncadd.s32 s5;
	_ =	sdelay $0x1  }
0xa2: {  	s23 =	simm.s32 $0x1B8B  }
0xa3: {  	_ =	swait.ge [sflag:s23], $0x1  }
0xa4: {  	[sflag:s23] =	ssyncset.done $0x0  }
0xa5: {  	s25 =	simm.s32 $0x1B8E;
	s24 =	sld [smem:$0x3FFE];
	[sflag:s23] =	ssyncadd.s32 $0xFFFFFFFF  }
0xa6: {  	s26 =	simm.s32 $execute0_lowered;
	[smem:$0x3FD2] =	sst s25  }
0xa7: {  	s6 =	sshll.u32 s26, $0x1;
	_ =	strace $0x80000046;
	[dreg:$0x1] =	wrdreg $0xFFFFFFFF  }
0xa8: {  	s28 =	simm.s32 $_size_execute0_lowered;
	s4 =	sadd.s32 s4, s6;
	[dreg:$0x0] =	wrdreg $0x0  }
0xa9: {  	s6 =	sshll.u32 s28, $0x1;
	[dreg:$0x2] =	wrdreg s4  }
0xaa: {  	[dreg:$0x3] =	wrdreg s6  }
0xab: {  	[dreg:$0x4] =	wrdreg $0xC0  }
0xac: {  	_ =	task [dreg:s8], $0x5FFFF  }
0xad: {  	[dreg:$0x1] =	wrdreg $0xFFFFFFFF  }
0xae: {  	[dreg:$0x0] =	wrdreg $0x60  }
0xaf: {  	[dreg:$0x2] =	wrdreg s18  }
0xb0: {  	[dreg:$0x3] =	wrdreg s2  }
0xb1: {  	[dreg:$0x4] =	wrdreg s24  }
0xb2: {  	[dreg:$0x5] =	wrdreg $0x9  }
0xb3: {  	_ =	task.clear_ibuf [dreg:s8], $0x6FFFF;
	_ =	strace $0x90000046  }
0xb4: {  	s29 =	simm.s32 $0x9;
	_ =	strace $0x80000048  }
0xb5: {  	_ =	swait.ge [sflag:s29], $0x1  }
0xb6: {  	[sflag:s29] =	ssyncadd.s32 $0xFFFFFFFF  }
0xb7: {  	_ =	strace $0x90000048  }
0xb8: {  	_ =	sfence  }
0xb9: {  	s30 =	sld [smem:$0x0];
	_ =	sdelay $0x2  }
0xba: {  	s31 =	sshll.u32 s1, $0xD;
	s1 =	sshrl.u32 s1, $0x2  }
0xbb: {  	s3 =	sand.u32 $0x4000, s31;
	s1 =	sadd.s32 s1, s30  }
0xbc: {  	s0 =	sor.u32 s3, s0;
	s1 =	sshll.u32 s1, $0x11  }
0xbd: {  	s0 =	sor.u32 s1, s0  }
0xbe: {  	s0 =	sadd.s32 $0x8F2B, s0  }
0xbf: {  	[sflag:s0] =	ssyncadd.remote.s32 $0x1  }
0xc0: {  	_ =	sfence.sel $0xFFFF  }
0xc1: {  	[dreg:$0x0] =	wrdreg $0xFFFFFFFF;
	(pc) =	sbr.abs _section_cstart, $3  }
0xc2: {  	[dreg:$0x1] =	wrdreg $0xFFFFFFFF  }
0xc3: {  	_ =	task.clear_ibuf [dreg:s8], $0x2FFFF;
	_ =	strace $0x9FFFFFFF  }
0xc4: {  	(tm) =	ssettm $0x7FFFFFFF  }
0xc5: {  	_ =	shalt  }
tec
execute0_lowered:
.L_overlay_start_1:
0x0: {  	(tag) =	ssettag $0x1  }
0x1: {  	s4 =	rddreg [dreg:$0x0]  }
0x2: {  	s2 =	rddreg [dreg:$0x1];
	s0 =	stileid.u32  }
0x3: {  	s6 =	rddreg [dreg:$0x2];
	s5 =	sshll.u32 s0, $0x3  }
0x4: {  	s1 =	rddreg [dreg:$0x3];
	s3 =	simm.s32 $0x0;
	s19 =	sand.u32 $0x70, s5  }
0x5: {  	[smem:$0x7FF] =	sst s3;
	s5 =	sshrl.u32 s19, $0x3  }
0x6: {  	_ =	strace $0x80000047;
	s5 =	sadd.s32 s4, s5;
	s4 =	simm.s32 $0x2  }
0x7: {  	[tilespmem:s3], [sflag:$0x2] =	stream.linear.gather [hbm4b:s5+s3], $0x10, $0x38;
	[tilespmem:$0x1080] =	vst v63  }
0x8: {  	_ =	swait.ge [sflag:s4], $0x10  }
0x9: {  	[sflag:s4] =	ssyncset.done $0x0  }
0xa: {  	[sflag:s4] =	ssyncadd.s32 $0xFFFFFFF0  }
0xb: {  	v0 =	vld [tilespmem:$0x0];
	_ =	sdelay $0x4  }
0xc: {  	v1 =	vshll.u32 v0, $0x1  }
0xd: {  	s7 =	srdreg.scid;
	v2 =	vlaneseq.u32;
	s8 =	sshll.u32 s0, $0x1;
	v3 =	vand.u32 $0x7, v0;
	v1 =	vand.u32 $0xFFFFFFF0, v1  }
0xe: {  	s10 =	sand.u32 $0x1, s7;
	v4 =	vshrl.u32 v2, $0x3;
	s21 =	sand.u32 $0x2, s8;
	v0 =	vand.u32 $0x7, v2;
	v3 =	vor.u32 v3, v1  }
0xf: {  	s18 =	sor.u32 s10, s21;
	v1 =	vmul.u32 $0x8, v4;
	v63 =	vperm.xlane v3, v0  }
0x10: {  	s9 =	simm.s32 $0x1;
	s11 =	sshll.u32 s18, $0x2;
	v2 =	vor.u32 $0x8, v2  }
0x11: {  	s26 =	sshll.u32 s0, $0xB;
	s23 =	ssub.s32 $0x2, s10;
	s22 =	sor.u32 s19, s11;
	v3 =	vperm.xlane v3, v2;
	v4 =	vadd.s32 v1, v63  }
0x12: {  	s12 =	sand.u32 $0x800, s26;
	s8 =	simm.s32 $0x880;
	s7 =	smul.u32 $0x80800, s22  }
0x13: {  	s21 =	sadd.s32 $0x800, s6;
	s24 =	sshrl.u32 s23, $0x1;
	s10 =	sshll.u32 s10, $0x9;
	v3 =	vadd.s32 v1, v3  }
0x14: {  	s23 =	ssub.s32 s23, s24;
	s24 =	sshllo.u32 s18, $0x2;
	s7 =	sshrl.u32 s7, $0x3  }
0x15: {  	vm0 =	vmmov $0xffff;
	s13 =	sor.u32 $0x1, s11;
	s25 =	sadd.s32 s21, s7;
	s7 =	simm.s32 $0x80  }
0x16: {  	[tilespmem:s7], [sflag:$0x1] =	stream.indirect_vreg.gather [hbm4b:s2+s3], $0x80, v4, vm0, $0xb8;
	[tilespmem:$0x1080] =	vst v63  }
0x17: {  	s20 =	sor.u32 $0x2, s11;
	s31 =	smax.u32 s23, $0x1;
	s28 =	sor.u32 s19, s13  }
0x18: {  	[tilespmem:s8], [sflag:$0x1] =	stream.indirect_vreg.gather [hbm4b:s2+s3], $0x80, v3, vm0, $0xb8;
	[tilespmem:$0x1080] =	vst v63  }
0x19: {  	s22 =	sor.u32 $0x80, s12;
	s15 =	sor.u32 s19, s20;
	_ =	swait.ge [sflag:s9], $0x1000  }
0x1a: {  	s16 =	sshll.u32 s13, $0x7;
	s14 =	smul.u32 $0x80800, s28;
	[sflag:s9] =	ssyncset.done $0x0  }
0x1b: {  	s10 =	sor.u32 s10, s22;
	s6 =	sadd.s32 $0x10000, s25;
	[sflag:s9] =	ssyncadd.s32 $0xFFFFF000  }
0x1c: {  	[hbm4b:s6+s3] =	stream.linear.scatter [tilespmem:s10], [sflag:$0x2], $0x80, $0x38;
	[tilespmem:$0x1080] =	vst v63  }
0x1d: {  	s15 =	smul.u32 $0x80800, s15;
	s11 =	sor.u32 $0x400, s10;
	s12 =	sadd.s32 $0x80, s6  }
0x1e: {  	[hbm4b:s12+s3] =	stream.linear.scatter [tilespmem:s11], [sflag:$0x2], $0x80, $0x38;
	[tilespmem:$0x1080] =	vst v63  }
0x1f: {  	s30 =	sand.u32 $0x280, s16;
	s29 =	sshrl.u32 s14, $0x3;
	_ =	swait.ge [sflag:s4], $0x100  }
0x20: {  	s15 =	sshrl.u32 s15, $0x3;
	s14 =	sadd.s32 s21, s29;
	[sflag:s4] =	ssyncset.done $0x0  }
0x21: {  	s13 =	sadd.s32 $0x10000, s14;
	s14 =	sadd.s32 s30, s22;
	[sflag:s4] =	ssyncadd.s32 $0xFFFFFF00  }
0x22: {  	[hbm4b:s13+s3] =	stream.linear.scatter [tilespmem:s14], [sflag:$0x2], $0x80, $0x38;
	[tilespmem:$0x1080] =	vst v63  }
0x23: {  	s17 =	sadd.s32 s21, s15;
	s15 =	sor.u32 $0x400, s14;
	s16 =	sadd.s32 $0x80, s13  }
0x24: {  	[hbm4b:s16+s3] =	stream.linear.scatter [tilespmem:s15], [sflag:$0x2], $0x80, $0x38;
	[tilespmem:$0x1080] =	vst v63  }
0x25: {  	s20 =	sshll.u32 s20, $0x7;
	s19 =	sor.u32 s19, s24;
	_ =	swait.ge [sflag:s4], $0x100  }
0x26: {  	s24 =	sshll.u32 s24, $0x7;
	s20 =	sand.u32 $0x300, s20;
	[sflag:s4] =	ssyncset.done $0x0  }
0x27: {  	s18 =	sor.u32 s20, s22;
	s17 =	sadd.s32 $0x10000, s17;
	[sflag:s4] =	ssyncadd.s32 $0xFFFFFF00  }
0x28: {  	[hbm4b:s17+s3] =	stream.linear.scatter [tilespmem:s18], [sflag:$0x2], $0x80, $0x38;
	[tilespmem:$0x1080] =	vst v63  }
0x29: {  	s25 =	smul.u32 $0x80800, s19;
	s19 =	sor.u32 $0x400, s18;
	s20 =	sadd.s32 $0x80, s17  }
0x2a: {  	[hbm4b:s20+s3] =	stream.linear.scatter [tilespmem:s19], [sflag:$0x2], $0x80, $0x38;
	[tilespmem:$0x1080] =	vst v63  }
0x2b: {  	p0 =	sne.s32 s31, $0x1;
	s25 =	sshrl.u32 s25, $0x3;
	_ =	swait.ge [sflag:s4], $0x100  }
0x2c: {  	s24 =	sand.u32 $0x380, s24;
	s21 =	sadd.s32 s21, s25;
	[sflag:s4] =	ssyncset.done $0x0  }
0x2d: {  	s22 =	sadd.s32 s24, s22;
	s21 =	sadd.s32 $0x10000, s21;
	[sflag:s4] =	ssyncadd.s32 $0xFFFFFF00  }
0x2e: {  	[hbm4b:s21+s3] =	stream.linear.scatter [tilespmem:s22], [sflag:$0x2], $0x80, $0x38;
	[tilespmem:$0x1080] =	vst v63  }
.Ltmp0:
0x2f: {  	_ = 	snop;
	(pc) =	sbr.rel @!p0 .LBB2_2-.Ltmp0, $4  }
0x30: {  	s23 =	sadd.s32 $0x400, s22;
	s24 =	sadd.s32 $0x80, s21  }
0x31: {  	[hbm4b:s24+s3] =	stream.linear.scatter [tilespmem:s23], [sflag:$0x2], $0x80, $0x38;
	[tilespmem:$0x1080] =	vst v63  }
0x32: {  	_ =	swait.ge [sflag:s4], $0x100  }
0x33: {  	s25 =	sadd.s32 $0xFFFFFFFF, s31;
	[sflag:s4] =	ssyncset.done $0x0  }
.LBB2_1:
0x34: {  	p0 =	sne.s32 s25, $0x1;
	s25 =	sadd.s32 $0xFFFFFFFF, s25;
	[sflag:s4] =	ssyncadd.s32 $0xFFFFFF00  }
0x35: {  	_ = 	snop  }
0x36: {  	[tilespmem:s3], [sflag:$0x2] =	stream.linear.gather [hbm4b:s5+s3], $0x10, $0x38;
	[tilespmem:$0x1080] =	vst v63  }
0x37: {  	_ =	swait.ge [sflag:s4], $0x10  }
0x38: {  	[sflag:s4] =	ssyncset.done $0x0  }
0x39: {  	[sflag:s4] =	ssyncadd.s32 $0xFFFFFFF0  }
0x3a: {  	v3 =	vld [tilespmem:$0x0];
	_ =	sdelay $0x4  }
0x3b: {  	v4 =	vshll.u32 v3, $0x1  }
0x3c: {  	v3 =	vand.u32 $0x7, v3;
	v4 =	vand.u32 $0xFFFFFFF0, v4  }
0x3d: {  	v3 =	vor.u32 v3, v4  }
0x3e: {  	v4 =	vperm.xlane v3, v0;
	v3 =	vperm.xlane v3, v2;
	_ =	sdelay $0x1  }
0x3f: {  	v4 =	vadd.s32 v1, v4;
	_ =	sdelay $0x1  }
0x40: {  	v3 =	vadd.s32 v1, v3;
	_ =	sdelay $0x2  }
0x41: {  	[tilespmem:s7], [sflag:$0x1] =	stream.indirect_vreg.gather [hbm4b:s2+s3], $0x80, v4, vm0, $0xb8;
	[tilespmem:$0x1080] =	vst v63  }
0x42: {  	_ = 	snop  }
0x43: {  	[tilespmem:s8], [sflag:$0x1] =	stream.indirect_vreg.gather [hbm4b:s2+s3], $0x80, v3, vm0, $0xb8;
	[tilespmem:$0x1080] =	vst v63  }
0x44: {  	_ =	swait.ge [sflag:s9], $0x1000  }
0x45: {  	[sflag:s9] =	ssyncset.done $0x0  }
0x46: {  	[sflag:s9] =	ssyncadd.s32 $0xFFFFF000  }
0x47: {  	[hbm4b:s6+s3] =	stream.linear.scatter [tilespmem:s10], [sflag:$0x2], $0x80, $0x38;
	[tilespmem:$0x1080] =	vst v63  }
0x48: {  	_ = 	snop  }
0x49: {  	[hbm4b:s12+s3] =	stream.linear.scatter [tilespmem:s11], [sflag:$0x2], $0x80, $0x38;
	[tilespmem:$0x1080] =	vst v63  }
0x4a: {  	_ =	swait.ge [sflag:s4], $0x100  }
0x4b: {  	[sflag:s4] =	ssyncset.done $0x0  }
0x4c: {  	[sflag:s4] =	ssyncadd.s32 $0xFFFFFF00  }
0x4d: {  	[hbm4b:s13+s3] =	stream.linear.scatter [tilespmem:s14], [sflag:$0x2], $0x80, $0x38;
	[tilespmem:$0x1080] =	vst v63  }
0x4e: {  	_ = 	snop  }
0x4f: {  	[hbm4b:s16+s3] =	stream.linear.scatter [tilespmem:s15], [sflag:$0x2], $0x80, $0x38;
	[tilespmem:$0x1080] =	vst v63  }
0x50: {  	_ =	swait.ge [sflag:s4], $0x100  }
0x51: {  	[sflag:s4] =	ssyncset.done $0x0  }
0x52: {  	[sflag:s4] =	ssyncadd.s32 $0xFFFFFF00  }
0x53: {  	[hbm4b:s17+s3] =	stream.linear.scatter [tilespmem:s18], [sflag:$0x2], $0x80, $0x38;
	[tilespmem:$0x1080] =	vst v63  }
0x54: {  	_ = 	snop  }
0x55: {  	[hbm4b:s20+s3] =	stream.linear.scatter [tilespmem:s19], [sflag:$0x2], $0x80, $0x38;
	[tilespmem:$0x1080] =	vst v63  }
0x56: {  	_ =	swait.ge [sflag:s4], $0x100  }
0x57: {  	[sflag:s4] =	ssyncset.done $0x0  }
0x58: {  	[sflag:s4] =	ssyncadd.s32 $0xFFFFFF00  }
0x59: {  	[hbm4b:s21+s3] =	stream.linear.scatter [tilespmem:s22], [sflag:$0x2], $0x80, $0x38;
	[tilespmem:$0x1080] =	vst v63  }
.Ltmp1:
0x5a: {  	_ = 	snop;
	(pc) =	sbr.rel @p0 .LBB2_1-.Ltmp1, $4  }
0x5b: {  	_ = 	snop  }
0x5c: {  	[hbm4b:s24+s3] =	stream.linear.scatter [tilespmem:s23], [sflag:$0x2], $0x80, $0x38;
	[tilespmem:$0x1080] =	vst v63  }
0x5d: {  	_ =	swait.ge [sflag:s4], $0x100  }
0x5e: {  	[sflag:s4] =	ssyncset.done $0x0  }
.LBB2_2:
0x5f: {  	[sflag:s4] =	ssyncadd.s32 $0xFFFFFF00  }
0x60: {  	_ =	sfence.sel $0x180000  }
0x61: {  	[bflag:$0x0] =	sbarrier.arrive $0xFFFF  }
0x62: {  	p0 =	sne.s32 s0, $0x0;
	_ =	strace $0x90000047  }
0x63: {  	s0 =	sadd.s32 @!p0 $0x100000, s1;
	[bflag:$0x2] =	sbarrier.arrive $0xFFFF  }
0x64: {  	[sflag:s0] =	ssyncadd.tile.s32 @!p0 $0x1;
	_ =	shalt  }
.Lfunc_end2:
_tile_overlayer_lowered:
.L_overlay_start_2:
0x65: {  	(tag) =	ssettag $0x2  }
0x66: {  	s0 =	rddreg [dreg:$0x0];
	s2 =	stileid.u32  }
0x67: {  	s1 =	rddreg [dreg:$0x1];
	p0 =	sne.s32 s2, $0x0  }
0x68: {  	s3 =	rddreg [dreg:$0x2];
	[bflag:$0x3] =	sbarrier.arrive $0xFFFF;
	s2 =	simm.s32 @!p0 $0x1C02  }
0x69: {  	[timem:s3], [sflag:s2] =	dma.local @!p0 [hbm:s0], s1  }
0x6a: {  	s0 =	simm.s32 @!p0 $0x2  }
0x6b: {  	_ =	swait.ge @!p0 [sflag:s0], s1  }
0x6c: {  	s1 =	ssub.s32 @!p0 $0x0, s1;
	[sflag:s0] =	ssyncset.done @!p0 $0x0  }
0x6d: {  	[sflag:s0] =	ssyncadd.s32 @!p0 s1  }
0x6e: {  	[bflag:$0x3] =	sbarrier.arrive $0xFFFF  }
0x6f: {  	_ =	shalt  }

</sc_bundles>
